<compile_context>
chip_gen: v7x
topology: tpu7x:2x2x1
jax: 0.10.2.dev20260603
libtpu: 0.0.44.dev20260713+nightly
codegen_flags: <defaults>
</compile_context>

<pallas_src>
import jax
import jax.numpy as jnp
from jax import lax
from jax.experimental import pallas as pl
from jax.experimental.pallas import tpu as pltpu, tpu_sc as plsc

NUM_Q = 4
CB_DIM = 64
CB_SIZE = 1024
BETA = 0.25
B, H, W = 8, 32, 32
N = H * W
UNROLL = 4
NB = B // UNROLL
NTOK = NUM_Q * B * N

SC_CORES = 2
SC_SUBCORES = 16
SC_WORKERS = SC_CORES * SC_SUBCORES
ROWS_PER_W = NTOK // SC_WORKERS
KFLAT = NUM_Q * CB_SIZE


def _dist_block(xb, cb, cbnorm, iota_k):
    znorm = jnp.sum(xb * xb, axis=0, keepdims=True)
    dots = jax.lax.dot(cb, xb)
    scores = (znorm - 2.0 * dots) + cbnorm
    m = jnp.min(scores, axis=0, keepdims=True)
    idx = jnp.min(jnp.where(scores == m, iota_k, CB_SIZE), axis=0,
                  keepdims=True)
    return idx, jnp.sum(m)


def _dist_kernel(x_ref, cb_ref, idx_ref, loss_ref):
    i = pl.program_id(0)
    b = pl.program_id(1)
    cb = cb_ref[0]
    cbnorm = jnp.sum(cb * cb, axis=1, keepdims=True)
    iota_k = jax.lax.broadcasted_iota(jnp.int32, (CB_SIZE, 1), 0)

    loss_c = None
    for s in range(UNROLL):
        idx, loss = _dist_block(x_ref[s, 0], cb, cbnorm, iota_k)
        idx_ref[0, 0:1, s * N:(s + 1) * N] = idx + i * CB_SIZE
        loss_c = loss if loss_c is None else loss_c + loss

    @pl.when(b == 0)
    def _init():
        loss_ref[0] = jnp.full((1, 128), loss_c, jnp.float32)

    @pl.when(b > 0)
    def _acc():
        loss_ref[0] = loss_ref[0] + loss_c

    @pl.when(b == NB - 1)
    def _finalize():
        loss_ref[0] = loss_ref[0] * ((1.0 + BETA) / (B * N * CB_DIM))


def _gather_kernel(cb_hbm, idx_hbm, rows_hbm, hist_hbm,
                   idx_v, rows_v, ones_v, zeros_v, hist_sh, sem):
    cid = lax.axis_index("c")
    sid = lax.axis_index("s")
    wid = sid * SC_CORES + cid
    base = wid * ROWS_PER_W

    pltpu.sync_copy(idx_hbm.at[pl.ds(base, ROWS_PER_W)], idx_v)

    @pl.loop(0, ROWS_PER_W // 16)
    def _prep(j):
        ones_v[pl.ds(j * 16, 16)] = jnp.ones((16,), jnp.float32)

    @pl.when(sid == 0)
    def _init_hist():
        @pl.loop(0, KFLAT // 16)
        def _zero(j):
            zeros_v[pl.ds(j * 16, 16)] = jnp.zeros((16,), jnp.float32)
        pltpu.sync_copy(zeros_v, hist_sh)

    plsc.subcore_barrier()

    pltpu.async_copy(cb_hbm.at[idx_v], rows_v, sem).wait()
    pltpu.sync_copy(rows_v, rows_hbm.at[pl.ds(base, ROWS_PER_W)])

    pltpu.sync_copy(ones_v, hist_sh.at[idx_v], add=True)
    plsc.subcore_barrier()

    @pl.when(sid == 0)
    def _pub():
        pltpu.sync_copy(hist_sh, hist_hbm.at[cid])


def _perp_kernel(hist_ref, perp_ref):
    hist = hist_ref[0] + hist_ref[1]
    probs = hist * (1.0 / (B * N))
    plogp = probs * jnp.log(probs + 1e-10)
    ent = jnp.sum(plogp, axis=1, keepdims=True)
    perp_ref[...] = jnp.exp(-ent) * jnp.ones((NUM_Q, 128), jnp.float32)


@jax.jit
def kernel(x, codebooks):
    xr = x.reshape(B, NUM_Q, CB_DIM, N)
    idx, loss = pl.pallas_call(
        _dist_kernel,
        grid=(NUM_Q, NB),
        in_specs=[
            pl.BlockSpec((UNROLL, 1, CB_DIM, N), lambda i, b: (b, i, 0, 0)),
            pl.BlockSpec((1, CB_SIZE, CB_DIM), lambda i, b: (i, 0, 0)),
        ],
        out_specs=[
            pl.BlockSpec((1, 1, UNROLL * N), lambda i, b: (i, 0, b)),
            pl.BlockSpec((1, 1, 128), lambda i, b: (i, 0, 0)),
        ],
        out_shape=[
            jax.ShapeDtypeStruct((NUM_Q, 1, B * N), jnp.int32),
            jax.ShapeDtypeStruct((NUM_Q, 1, 128), jnp.float32),
        ],
    )(xr, codebooks)

    sc_gather = pl.kernel(
        _gather_kernel,
        out_type=[
            jax.ShapeDtypeStruct((NTOK, CB_DIM), jnp.float32),
            jax.ShapeDtypeStruct((SC_CORES, KFLAT), jnp.float32),
        ],
        mesh=plsc.VectorSubcoreMesh(core_axis_name="c", subcore_axis_name="s"),
        scratch_types=[
            pltpu.VMEM((ROWS_PER_W,), jnp.int32),
            pltpu.VMEM((ROWS_PER_W, CB_DIM), jnp.float32),
            pltpu.VMEM((ROWS_PER_W,), jnp.float32),
            pltpu.VMEM((KFLAT,), jnp.float32),
            pltpu.VMEM_SHARED((KFLAT,), jnp.float32),
            pltpu.SemaphoreType.DMA,
        ],
        compiler_params=pltpu.CompilerParams(use_tc_tiling_on_sc=False),
    )
    rows, hist2 = sc_gather(codebooks.reshape(KFLAT, CB_DIM),
                            idx.reshape(NTOK))

    perp = pl.pallas_call(
        _perp_kernel,
        grid=(1,),
        in_specs=[pl.BlockSpec((SC_CORES, NUM_Q, CB_SIZE),
                               lambda _: (0, 0, 0))],
        out_specs=pl.BlockSpec((NUM_Q, 128), lambda _: (0, 0)),
        out_shape=jax.ShapeDtypeStruct((NUM_Q, 128), jnp.float32),
    )(hist2.reshape(SC_CORES, NUM_Q, CB_SIZE))

    quantized_cat = rows.reshape(NUM_Q, B, N, CB_DIM).transpose(
        1, 0, 3, 2).reshape(B, NUM_Q * CB_DIM, H, W)
    offs = (jnp.arange(NUM_Q, dtype=jnp.int32) * CB_SIZE)[None, :, None, None]
    indices_cat = idx.reshape(NUM_Q, B, H, W).transpose(1, 0, 2, 3) - offs
    loss_cat = loss[:, 0, 0]
    perplexity_cat = perp[:, 0]
    return (quantized_cat, indices_cat, loss_cat, perplexity_cat)

# --- scband reference (transcript-rebuilt; emitter-appended) ---
"""Pipeline reference for scband-multi-layer-vq-18468359373177 (READ-ONLY COPY).

The authoritative reference and input builder live on the scoring server;
editing this copy changes nothing except your own understanding.
"""

import jax, jax.numpy as jnp
import numpy as np

NUM_Q = 4
CB_DIM = 64
CB_SIZE = 1024
BETA = 0.25
B, H, W = 8, 32, 32


def setup_inputs(seed: int = 0) -> dict:
    key = jax.random.key(seed)
    kx, kc = jax.random.split(key)
    x = jax.random.normal(kx, (B, NUM_Q * CB_DIM, H, W), dtype=jnp.float32)
    # learned codebooks for each quantizer layer: [NUM_Q, K, d]
    codebooks = jax.random.normal(kc, (NUM_Q, CB_SIZE, CB_DIM), dtype=jnp.float32) * 0.02
    return {"x": x, "codebooks": codebooks}


def _vq_layer(part_x, cb):
    # part_x: [B, d, H, W]  (channels-first, like torch)
    b, d, h, w = part_x.shape
    z = jnp.transpose(part_x, (0, 2, 3, 1))  # [B, H, W, d]
    flat = z.reshape(-1, d)                   # [N, d]
    # squared L2 distances to codebook entries
    dist = (jnp.sum(flat ** 2, axis=1, keepdims=True)
            - 2.0 * flat @ cb.T
            + jnp.sum(cb ** 2, axis=1)[None, :])  # [N, K]
    idx = jnp.argmin(dist, axis=1)            # [N]
    quant = jnp.take(cb, idx, axis=0).reshape(b, h, w, d)
    # commitment + codebook losses
    e_loss = jnp.mean((jax.lax.stop_gradient(quant) - z) ** 2)
    q_loss = jnp.mean((quant - jax.lax.stop_gradient(z)) ** 2)
    loss = q_loss + BETA * e_loss
    # straight-through estimator
    quant_st = z + jax.lax.stop_gradient(quant - z)
    # codebook usage / perplexity
    onehot = jax.nn.one_hot(idx, cb.shape[0], dtype=jnp.float32)
    avg_probs = jnp.mean(onehot, axis=0)
    perplexity = jnp.exp(-jnp.sum(avg_probs * jnp.log(avg_probs + 1e-10)))
    quant_out = jnp.transpose(quant_st, (0, 3, 1, 2))  # back to [B, d, H, W]
    return quant_out, idx.reshape(b, h, w), loss[None], perplexity


def reference(x, codebooks):
    quant_list, idx_list, loss_list, perp_list = [], [], [], []
    for i in range(NUM_Q):
        part_x = x[:, i * CB_DIM:(i + 1) * CB_DIM, :, :]
        q, idx, loss, perp = _vq_layer(part_x, codebooks[i])
        quant_list.append(q)
        idx_list.append(idx[:, None])  # unsqueeze(1)
        loss_list.append(loss)
        perp_list.append(perp[None])
    quantized_cat = jnp.concatenate(quant_list, axis=1)   # [B, NUM_Q*d, H, W]
    indices_cat = jnp.concatenate(idx_list, axis=1)       # [B, NUM_Q, H, W]
    loss_cat = jnp.concatenate(loss_list, axis=0)         # [NUM_Q]
    perplexity_cat = jnp.concatenate(perp_list, axis=0)   # [NUM_Q]
    return (quantized_cat, indices_cat, loss_cat, perplexity_cat)

if __name__ == "__main__":
    import jax
    _d = setup_inputs()
    print(jax.jit(kernel)(*tuple(_d.values())))

</pallas_src>

<mosaic_0001>
#map = affine_map<(d0, d1) -> (0, 0)>
#map1 = affine_map<(d0, d1) -> (0)>
module attributes {stable_mosaic.version = 14 : i64} {
  func.func @_gather_kernel(%arg0: i32, %arg1: i32, %arg2: memref<4096x64xf32, #tpu.memory_space<hbm>>, %arg3: memref<32768xi32, #tpu.memory_space<hbm>>, %arg4: memref<32768x64xf32, #tpu.memory_space<hbm>>, %arg5: memref<2x4096xf32, #tpu.memory_space<hbm>>, %arg6: memref<1024xi32, #tpu.memory_space<vmem>>, %arg7: memref<1024x64xf32, #tpu.memory_space<vmem>>, %arg8: memref<1024xf32, #tpu.memory_space<vmem>>, %arg9: memref<4096xf32, #tpu.memory_space<vmem>>, %arg10: memref<4096xf32, #tpu.memory_space<vmem_shared>>, %arg11: memref<!tpu.dma_semaphore, #tpu.memory_space<semaphore_mem>>) attributes {dimension_semantics = [#tpu.dimension_semantics<core_parallel>, #tpu.dimension_semantics<subcore_parallel>], iteration_bounds = array<i64: 2, 16>, scalar_prefetch = 0 : i64, scratch_operands = 6 : i64, tpu.core_type = #tpu.core_type<sc_vector_subcore>, window_params = [{transform_indices = #map}, {transform_indices = #map1}, {transform_indices = #map}, {transform_indices = #map}]} {
    %mul3A = arith.constant 2 : i32
    %mul3A_0 = arith.muli %arg1, %mul3A : i32
    %add3A = arith.addi %mul3A_0, %arg0 : i32
    %mul3A_1 = arith.constant 1024 : i32
    %mul3A_2 = arith.muli %add3A, %mul3A_1 : i32
    "tpu.region"() ({
      %run_scoped3A = tpu.sem_alloc : memref<!tpu.dma_semaphore, #tpu.memory_space<semaphore_mem>>
      %dma_start3A_19 = tpu.memref_slice %arg3[%mul3A_2] : memref<32768xi32, #tpu.memory_space<hbm>> -> memref<1024xi32, #tpu.memory_space<hbm>>
      %dma_start3A_20 = tpu.memref_slice %arg3[%mul3A_2] : memref<32768xi32, #tpu.memory_space<hbm>> -> memref<1024xi32, #tpu.memory_space<hbm>>
      tpu.enqueue_dma source(%dma_start3A_20 : memref<1024xi32, #tpu.memory_space<hbm>>) target(%arg6 : memref<1024xi32, #tpu.memory_space<vmem>>) target_semaphore(%run_scoped3A : memref<!tpu.dma_semaphore, #tpu.memory_space<semaphore_mem>>)
      %dma_wait3A_21 = tpu.memref_slice %arg3[%mul3A_2] : memref<32768xi32, #tpu.memory_space<hbm>> -> memref<1024xi32, #tpu.memory_space<hbm>>
      %dma_wait3A_22 = tpu.memref_slice %arg3[%mul3A_2] : memref<32768xi32, #tpu.memory_space<hbm>> -> memref<1024xi32, #tpu.memory_space<hbm>>
      tpu.wait_dma2 semaphore(%run_scoped3A : memref<!tpu.dma_semaphore, #tpu.memory_space<semaphore_mem>>) src(%dma_wait3A_22 : memref<1024xi32, #tpu.memory_space<hbm>>) dst(%arg6 : memref<1024xi32, #tpu.memory_space<vmem>>)
      tpu.yield
    }) : () -> ()
    %scan3A = arith.constant 0 : i32
    %scan3A_3 = arith.constant 64 : i32
    %scan3A_4 = arith.addi %scan3A, %scan3A_3 : i32
    %scan3A_5 = arith.constant 1 : i32
    scf.for %scan3A_19 = %scan3A to %scan3A_4 step %scan3A_5  : i32 {
      %mul3A_20 = arith.constant 1 : i32
      %mul3A_21 = arith.muli %scan3A_19, %mul3A_20 : i32
      %add3A_22 = arith.constant 0 : i32
      %add3A_23 = arith.addi %add3A_22, %mul3A_21 : i32
      %broadcast_in_dim3A = arith.constant 1.000000e+00 : f32
      %broadcast_in_dim3A_24 = vector.broadcast %broadcast_in_dim3A : f32 to vector<16xf32>
      %mul3A_25 = arith.constant 16 : i32
      %mul3A_26 = arith.muli %add3A_23, %mul3A_25 : i32
      %swap3A = arith.index_cast %mul3A_26 : i32 to index
      %swap3A_27 = tpu.vector_load %arg8[%swap3A] {strides = array<i32>} : memref<1024xf32, #tpu.memory_space<vmem>>, vector<16xf32>,
      %swap3A_28 = vector.shape_cast %swap3A_27 : vector<16xf32> to vector<16xf32>
      %swap3A_29 = vector.shape_cast %broadcast_in_dim3A_24 : vector<16xf32> to vector<16xf32>
      tpu.vector_store %arg8[%swap3A], %swap3A_29 {strides = array<i32>} : memref<1024xf32, #tpu.memory_space<vmem>>, vector<16xf32>,
    }
    %scan3A_6 = arith.constant 64 : i32
    %eq3A = arith.constant 0 : i32
    %eq3A_7 = arith.cmpi eq, %arg1, %eq3A : i32
    %convert_element_type3A = arith.extui %eq3A_7 : i1 to i32
    %cond3A = arith.constant 0 : i32
    %cond3A_8 = arith.cmpi ne, %convert_element_type3A, %cond3A : i32
    scf.if %cond3A_8 {
      %scan3A_19 = arith.constant 0 : i32
      %scan3A_20 = arith.constant 256 : i32
      %scan3A_21 = arith.addi %scan3A_19, %scan3A_20 : i32
      %scan3A_22 = arith.constant 1 : i32
      scf.for %scan3A_24 = %scan3A_19 to %scan3A_21 step %scan3A_22  : i32 {
        %mul3A_25 = arith.constant 1 : i32
        %mul3A_26 = arith.muli %scan3A_24, %mul3A_25 : i32
        %add3A_27 = arith.constant 0 : i32
        %add3A_28 = arith.addi %add3A_27, %mul3A_26 : i32
        %broadcast_in_dim3A = arith.constant 0.000000e+00 : f32
        %broadcast_in_dim3A_29 = vector.broadcast %broadcast_in_dim3A : f32 to vector<16xf32>
        %mul3A_30 = arith.constant 16 : i32
        %mul3A_31 = arith.muli %add3A_28, %mul3A_30 : i32
        %swap3A = arith.index_cast %mul3A_31 : i32 to index
        %swap3A_32 = tpu.vector_load %arg9[%swap3A] {strides = array<i32>} : memref<4096xf32, #tpu.memory_space<vmem>>, vector<16xf32>,
        %swap3A_33 = vector.shape_cast %swap3A_32 : vector<16xf32> to vector<16xf32>
        %swap3A_34 = vector.shape_cast %broadcast_in_dim3A_29 : vector<16xf32> to vector<16xf32>
        tpu.vector_store %arg9[%swap3A], %swap3A_34 {strides = array<i32>} : memref<4096xf32, #tpu.memory_space<vmem>>, vector<16xf32>,
      }
      %scan3A_23 = arith.constant 256 : i32
      "tpu.region"() ({
        %run_scoped3A = tpu.sem_alloc : memref<!tpu.dma_semaphore, #tpu.memory_space<semaphore_mem>>
        tpu.enqueue_dma source(%arg9 : memref<4096xf32, #tpu.memory_space<vmem>>) target(%arg10 : memref<4096xf32, #tpu.memory_space<vmem_shared>>) target_semaphore(%run_scoped3A : memref<!tpu.dma_semaphore, #tpu.memory_space<semaphore_mem>>)
        tpu.wait_dma2 semaphore(%run_scoped3A : memref<!tpu.dma_semaphore, #tpu.memory_space<semaphore_mem>>) src(%arg9 : memref<4096xf32, #tpu.memory_space<vmem>>) dst(%arg10 : memref<4096xf32, #tpu.memory_space<vmem_shared>>)
        tpu.yield
      }) : () -> ()
    } else {
    }
    %barrier3A = arith.constant 0 : index
    tpu.barrier barrier_id(%barrier3A)
    %dma_start3A = arith.constant 0 : i32
    %dma_start3A_9 = arith.constant 0 : i32
    %dma_start3A_10 = tpu.memref_slice %arg2[%dma_start3A, %dma_start3A_9] : memref<4096x64xf32, #tpu.memory_space<hbm>> -> memref<4096x64xf32, #tpu.memory_space<hbm>>
    tpu.enqueue_indirect_dma source(%dma_start3A_10 : memref<4096x64xf32, #tpu.memory_space<hbm>>) target(%arg7 : memref<1024x64xf32, #tpu.memory_space<vmem>>) offsets(%arg6 : memref<1024xi32, #tpu.memory_space<vmem>>) semaphore(%arg11 : memref<!tpu.dma_semaphore, #tpu.memory_space<semaphore_mem>>)
    %dma_wait3A = arith.constant 0 : i32
    %dma_wait3A_11 = arith.constant 0 : i32
    %dma_wait3A_12 = tpu.memref_slice %arg2[%dma_wait3A, %dma_wait3A_11] : memref<4096x64xf32, #tpu.memory_space<hbm>> -> memref<4096x64xf32, #tpu.memory_space<hbm>>
    tpu.wait_indirect_dma semaphore(%arg11 : memref<!tpu.dma_semaphore, #tpu.memory_space<semaphore_mem>>) src(%dma_wait3A_12 : memref<4096x64xf32, #tpu.memory_space<hbm>>) dst(%arg7 : memref<1024x64xf32, #tpu.memory_space<vmem>>)
    "tpu.region"() ({
      %run_scoped3A = tpu.sem_alloc : memref<!tpu.dma_semaphore, #tpu.memory_space<semaphore_mem>>
      %dma_start3A_19 = arith.constant 0 : i32
      %dma_start3A_20 = tpu.memref_slice %arg4[%mul3A_2, %dma_start3A_19] : memref<32768x64xf32, #tpu.memory_space<hbm>> -> memref<1024x64xf32, #tpu.memory_space<hbm>>
      %dma_start3A_21 = arith.constant 0 : i32
      %dma_start3A_22 = tpu.memref_slice %arg4[%mul3A_2, %dma_start3A_21] : memref<32768x64xf32, #tpu.memory_space<hbm>> -> memref<1024x64xf32, #tpu.memory_space<hbm>>
      tpu.enqueue_dma source(%arg7 : memref<1024x64xf32, #tpu.memory_space<vmem>>) target(%dma_start3A_22 : memref<1024x64xf32, #tpu.memory_space<hbm>>) target_semaphore(%run_scoped3A : memref<!tpu.dma_semaphore, #tpu.memory_space<semaphore_mem>>)
      %dma_wait3A_23 = arith.constant 0 : i32
      %dma_wait3A_24 = tpu.memref_slice %arg4[%mul3A_2, %dma_wait3A_23] : memref<32768x64xf32, #tpu.memory_space<hbm>> -> memref<1024x64xf32, #tpu.memory_space<hbm>>
      %dma_wait3A_25 = arith.constant 0 : i32
      %dma_wait3A_26 = tpu.memref_slice %arg4[%mul3A_2, %dma_wait3A_25] : memref<32768x64xf32, #tpu.memory_space<hbm>> -> memref<1024x64xf32, #tpu.memory_space<hbm>>
      tpu.wait_dma2 semaphore(%run_scoped3A : memref<!tpu.dma_semaphore, #tpu.memory_space<semaphore_mem>>) src(%arg7 : memref<1024x64xf32, #tpu.memory_space<vmem>>) dst(%dma_wait3A_26 : memref<1024x64xf32, #tpu.memory_space<hbm>>)
      tpu.yield
    }) : () -> ()
    "tpu.region"() ({
      %run_scoped3A = tpu.sem_alloc : memref<!tpu.dma_semaphore, #tpu.memory_space<semaphore_mem>>
      %dma_start3A_19 = arith.constant 0 : i32
      %dma_start3A_20 = tpu.memref_slice %arg10[%dma_start3A_19] : memref<4096xf32, #tpu.memory_space<vmem_shared>> -> memref<4096xf32, #tpu.memory_space<vmem_shared>>
      tpu.enqueue_indirect_dma source(%arg8 : memref<1024xf32, #tpu.memory_space<vmem>>) target(%dma_start3A_20 : memref<4096xf32, #tpu.memory_space<vmem_shared>>) offsets(%arg6 : memref<1024xi32, #tpu.memory_space<vmem>>) semaphore(%run_scoped3A : memref<!tpu.dma_semaphore, #tpu.memory_space<semaphore_mem>>) {add = true}
      %dma_wait3A_21 = arith.constant 0 : i32
      %dma_wait3A_22 = tpu.memref_slice %arg10[%dma_wait3A_21] : memref<4096xf32, #tpu.memory_space<vmem_shared>> -> memref<4096xf32, #tpu.memory_space<vmem_shared>>
      tpu.wait_indirect_dma semaphore(%run_scoped3A : memref<!tpu.dma_semaphore, #tpu.memory_space<semaphore_mem>>) src(%arg8 : memref<1024xf32, #tpu.memory_space<vmem>>) dst(%dma_wait3A_22 : memref<4096xf32, #tpu.memory_space<vmem_shared>>)
      tpu.yield
    }) : () -> ()
    %barrier3A_13 = arith.constant 0 : index
    tpu.barrier barrier_id(%barrier3A_13)
    %eq3A_14 = arith.constant 0 : i32
    %eq3A_15 = arith.cmpi eq, %arg1, %eq3A_14 : i32
    %convert_element_type3A_16 = arith.extui %eq3A_15 : i1 to i32
    %cond3A_17 = arith.constant 0 : i32
    %cond3A_18 = arith.cmpi ne, %convert_element_type3A_16, %cond3A_17 : i32
    scf.if %cond3A_18 {
      "tpu.region"() ({
        %run_scoped3A = tpu.sem_alloc : memref<!tpu.dma_semaphore, #tpu.memory_space<semaphore_mem>>
        %dma_start3A_19 = arith.constant 0 : i32
        %dma_start3A_20 = tpu.memref_slice %arg5[%arg0, %dma_start3A_19] : memref<2x4096xf32, #tpu.memory_space<hbm>> -> memref<1x4096xf32, #tpu.memory_space<hbm>>
        %dma_start3A_21 = tpu.memref_squeeze %dma_start3A_20 : memref<1x4096xf32, #tpu.memory_space<hbm>> -> memref<4096xf32, #tpu.memory_space<hbm>>
        tpu.enqueue_dma source(%arg10 : memref<4096xf32, #tpu.memory_space<vmem_shared>>) target(%dma_start3A_21 : memref<4096xf32, #tpu.memory_space<hbm>>) target_semaphore(%run_scoped3A : memref<!tpu.dma_semaphore, #tpu.memory_space<semaphore_mem>>)
        %dma_wait3A_22 = arith.constant 0 : i32
        %dma_wait3A_23 = tpu.memref_slice %arg5[%arg0, %dma_wait3A_22] : memref<2x4096xf32, #tpu.memory_space<hbm>> -> memref<1x4096xf32, #tpu.memory_space<hbm>>
        %dma_wait3A_24 = tpu.memref_squeeze %dma_wait3A_23 : memref<1x4096xf32, #tpu.memory_space<hbm>> -> memref<4096xf32, #tpu.memory_space<hbm>>
        tpu.wait_dma2 semaphore(%run_scoped3A : memref<!tpu.dma_semaphore, #tpu.memory_space<semaphore_mem>>) src(%arg10 : memref<4096xf32, #tpu.memory_space<vmem_shared>>) dst(%dma_wait3A_24 : memref<4096xf32, #tpu.memory_space<hbm>>)
        tpu.yield
      }) : () -> ()
    } else {
    }
    return
  }
}

module attributes {stable_mosaic.version = 14 : i64} {
  func.func @_dist_kernel(%arg0: i32, %arg1: i32, %arg2: memref<4x1x64x1024xf32, #tpu.memory_space<vmem>>, %arg3: memref<1x1024x64xf32, #tpu.memory_space<vmem>>, %arg4: memref<1x1x4096xi32, #tpu.memory_space<vmem>>, %arg5: memref<1x1x128xf32, #tpu.memory_space<vmem>>) attributes {dimension_semantics = [#tpu.dimension_semantics<arbitrary>, #tpu.dimension_semantics<arbitrary>], iteration_bounds = array<i64: 4, 2>, scalar_prefetch = 0 : i64, scratch_operands = 0 : i64, tpu.core_type = #tpu.core_type<tc>, window_params = [{transform_indices = @transform_0, window_bounds = array<i64: 4, 1, 64, 1024>}, {transform_indices = @transform_1, window_bounds = array<i64: 1, 1024, 64>}, {transform_indices = @transform_2, window_bounds = array<i64: 1, 1, 4096>}, {transform_indices = @transform_3, window_bounds = array<i64: 1, 1, 128>}]} {
    %get3A = arith.constant 0 : index
    %get3A_0 = arith.constant 0 : index
    %get3A_1 = arith.constant 0 : index
    %get3A_2 = vector.load %arg3[%get3A, %get3A_0, %get3A_1] : memref<1x1024x64xf32, #tpu.memory_space<vmem>>, vector<1x1024x64xf32>
    %get3A_3 = vector.shape_cast %get3A_2 : vector<1x1024x64xf32> to vector<1024x64xf32>
    %mul3A = arith.mulf %get3A_3, %get3A_3 : vector<1024x64xf32>
    %reduce_sum3A = arith.constant dense<0.000000e+00> : vector<1024xf32>
    %reduce_sum3A_4 = vector.multi_reduction <add>, %mul3A, %reduce_sum3A [1] : vector<1024x64xf32> to vector<1024xf32>
    %broadcast_in_dim3A = vector.shape_cast %reduce_sum3A_4 : vector<1024xf32> to vector<1024x1xf32>
    %iota3A = tpu.iota {dimensions = array<i32: 0>} : vector<1024x1xi32>
    %get3A_5 = arith.constant 0 : index
    %get3A_6 = arith.constant 0 : index
    %get3A_7 = arith.constant 0 : index
    %get3A_8 = arith.constant 0 : index
    %get3A_9 = vector.load %arg2[%get3A_5, %get3A_6, %get3A_7, %get3A_8] : memref<4x1x64x1024xf32, #tpu.memory_space<vmem>>, vector<1x1x64x1024xf32>
    %get3A_10 = vector.shape_cast %get3A_9 : vector<1x1x64x1024xf32> to vector<64x1024xf32>
    %mul3A_11 = arith.mulf %get3A_10, %get3A_10 : vector<64x1024xf32>
    %reduce_sum3A_12 = arith.constant dense<0.000000e+00> : vector<1024xf32>
    %reduce_sum3A_13 = vector.multi_reduction <add>, %mul3A_11, %reduce_sum3A_12 [0] : vector<64x1024xf32> to vector<1024xf32>
    %broadcast_in_dim3A_14 = vector.shape_cast %reduce_sum3A_13 : vector<1024xf32> to vector<1x1024xf32>
    %dot_general3A = arith.constant dense<0.000000e+00> : vector<1024x1024xf32>
    %dot_general3A_15 = tpu.matmul %get3A_3, %get3A_10, %dot_general3A {dimension_numbers = #tpu.dot_dimension_numbers<[1], [0], [0], [1], [0, 0, 1, 1], [], []>, transpose_lhs_hint = false} : vector<1024x64xf32>, vector<64x1024xf32>, vector<1024x1024xf32> -> vector<1024x1024xf32>
    %mul3A_16 = arith.constant 2.000000e+00 : f32
    %mul3A_17 = vector.broadcast %mul3A_16 : f32 to vector<1024x1024xf32>
    %mul3A_18 = arith.mulf %mul3A_17, %dot_general3A_15 : vector<1024x1024xf32>
    %sub3A = vector.broadcast %broadcast_in_dim3A_14 : vector<1x1024xf32> to vector<1024x1024xf32>
    %sub3A_19 = arith.subf %sub3A, %mul3A_18 : vector<1024x1024xf32>
    %add3A = vector.broadcast %broadcast_in_dim3A : vector<1024x1xf32> to vector<1024x1024xf32>
    %add3A_20 = arith.addf %sub3A_19, %add3A : vector<1024x1024xf32>
    %reduce_min3A = arith.constant dense<0x7F800000> : vector<1024xf32>
    %reduce_min3A_21 = vector.multi_reduction <minimumf>, %add3A_20, %reduce_min3A [0] : vector<1024x1024xf32> to vector<1024xf32>
    %broadcast_in_dim3A_22 = vector.shape_cast %reduce_min3A_21 : vector<1024xf32> to vector<1x1024xf32>
    %eq3A = vector.broadcast %broadcast_in_dim3A_22 : vector<1x1024xf32> to vector<1024x1024xf32>
    %eq3A_23 = arith.cmpf oeq, %add3A_20, %eq3A : vector<1024x1024xf32>
    %jit3A = arith.constant 1024 : i32
    %broadcast_in_dim3A_24 = vector.shape_cast %iota3A : vector<1024x1xi32> to vector<1024x1xi32>
    %broadcast_in_dim3A_25 = vector.broadcast %broadcast_in_dim3A_24 : vector<1024x1xi32> to vector<1024x1024xi32>
    %broadcast_in_dim3A_26 = vector.broadcast %jit3A : i32 to vector<1024x1024xi32>
    %select_n3A = arith.select %eq3A_23, %broadcast_in_dim3A_25, %broadcast_in_dim3A_26 : vector<1024x1024xi1>, vector<1024x1024xi32>
    %reduce_min3A_27 = arith.constant dense<2147483647> : vector<1024xi32>
    %reduce_min3A_28 = vector.multi_reduction <minsi>, %select_n3A, %reduce_min3A_27 [0] : vector<1024x1024xi32> to vector<1024xi32>
    %broadcast_in_dim3A_29 = vector.shape_cast %reduce_min3A_28 : vector<1024xi32> to vector<1x1024xi32>
    %reduce_sum3A_30 = vector.shape_cast %broadcast_in_dim3A_22 : vector<1x1024xf32> to vector<1x1x1024xf32>
    %reduce_sum3A_31 = arith.constant dense<0.000000e+00> : vector<1xf32>
    %reduce_sum3A_32 = vector.multi_reduction <add>, %reduce_sum3A_30, %reduce_sum3A_31 [1, 2] : vector<1x1x1024xf32> to vector<1xf32>
    %reduce_sum3A_33 = vector.shape_cast %reduce_sum3A_32 : vector<1xf32> to vector<1x1x1xf32>
    %reduce_sum3A_34 = vector.extract %reduce_sum3A_33[0, 0, 0] : f32 from vector<1x1x1xf32>
    %mul3A_35 = arith.constant 1024 : i32
    %mul3A_36 = arith.muli %arg0, %mul3A_35 : i32
    %add3A_37 = vector.broadcast %mul3A_36 : i32 to vector<1x1024xi32>
    %add3A_38 = arith.addi %broadcast_in_dim3A_29, %add3A_37 : vector<1x1024xi32>
    %swap3A = arith.constant 0 : index
    %swap3A_39 = arith.constant 0 : index
    %swap3A_40 = arith.constant 0 : index
    %swap3A_41 = vector.load %arg4[%swap3A, %swap3A_39, %swap3A_40] : memref<1x1x4096xi32, #tpu.memory_space<vmem>>, vector<1x1x1024xi32>
    %swap3A_42 = vector.shape_cast %swap3A_41 : vector<1x1x1024xi32> to vector<1x1024xi32>
    %swap3A_43 = vector.shape_cast %add3A_38 : vector<1x1024xi32> to vector<1x1x1024xi32>
    tpu.vector_store %arg4[%swap3A, %swap3A_39, %swap3A_40], %swap3A_43 {strides = array<i32>} : memref<1x1x4096xi32, #tpu.memory_space<vmem>>, vector<1x1x1024xi32>,
    %get3A_44 = arith.constant 1 : index
    %get3A_45 = arith.constant 0 : index
    %get3A_46 = arith.constant 0 : index
    %get3A_47 = arith.constant 0 : index
    %get3A_48 = vector.load %arg2[%get3A_44, %get3A_45, %get3A_46, %get3A_47] : memref<4x1x64x1024xf32, #tpu.memory_space<vmem>>, vector<1x1x64x1024xf32>
    %get3A_49 = vector.shape_cast %get3A_48 : vector<1x1x64x1024xf32> to vector<64x1024xf32>
    %mul3A_50 = arith.mulf %get3A_49, %get3A_49 : vector<64x1024xf32>
    %reduce_sum3A_51 = arith.constant dense<0.000000e+00> : vector<1024xf32>
    %reduce_sum3A_52 = vector.multi_reduction <add>, %mul3A_50, %reduce_sum3A_51 [0] : vector<64x1024xf32> to vector<1024xf32>
    %broadcast_in_dim3A_53 = vector.shape_cast %reduce_sum3A_52 : vector<1024xf32> to vector<1x1024xf32>
    %dot_general3A_54 = arith.constant dense<0.000000e+00> : vector<1024x1024xf32>
    %dot_general3A_55 = tpu.matmul %get3A_3, %get3A_49, %dot_general3A_54 {dimension_numbers = #tpu.dot_dimension_numbers<[1], [0], [0], [1], [0, 0, 1, 1], [], []>, transpose_lhs_hint = false} : vector<1024x64xf32>, vector<64x1024xf32>, vector<1024x1024xf32> -> vector<1024x1024xf32>
    %mul3A_56 = arith.constant 2.000000e+00 : f32
    %mul3A_57 = vector.broadcast %mul3A_56 : f32 to vector<1024x1024xf32>
    %mul3A_58 = arith.mulf %mul3A_57, %dot_general3A_55 : vector<1024x1024xf32>
    %sub3A_59 = vector.broadcast %broadcast_in_dim3A_53 : vector<1x1024xf32> to vector<1024x1024xf32>
    %sub3A_60 = arith.subf %sub3A_59, %mul3A_58 : vector<1024x1024xf32>
    %add3A_61 = vector.broadcast %broadcast_in_dim3A : vector<1024x1xf32> to vector<1024x1024xf32>
    %add3A_62 = arith.addf %sub3A_60, %add3A_61 : vector<1024x1024xf32>
    %reduce_min3A_63 = arith.constant dense<0x7F800000> : vector<1024xf32>
    %reduce_min3A_64 = vector.multi_reduction <minimumf>, %add3A_62, %reduce_min3A_63 [0] : vector<1024x1024xf32> to vector<1024xf32>
    %broadcast_in_dim3A_65 = vector.shape_cast %reduce_min3A_64 : vector<1024xf32> to vector<1x1024xf32>
    %eq3A_66 = vector.broadcast %broadcast_in_dim3A_65 : vector<1x1024xf32> to vector<1024x1024xf32>
    %eq3A_67 = arith.cmpf oeq, %add3A_62, %eq3A_66 : vector<1024x1024xf32>
    %jit3A_68 = arith.constant 1024 : i32
    %broadcast_in_dim3A_69 = vector.shape_cast %iota3A : vector<1024x1xi32> to vector<1024x1xi32>
    %broadcast_in_dim3A_70 = vector.broadcast %broadcast_in_dim3A_69 : vector<1024x1xi32> to vector<1024x1024xi32>
    %broadcast_in_dim3A_71 = vector.broadcast %jit3A_68 : i32 to vector<1024x1024xi32>
    %select_n3A_72 = arith.select %eq3A_67, %broadcast_in_dim3A_70, %broadcast_in_dim3A_71 : vector<1024x1024xi1>, vector<1024x1024xi32>
    %reduce_min3A_73 = arith.constant dense<2147483647> : vector<1024xi32>
    %reduce_min3A_74 = vector.multi_reduction <minsi>, %select_n3A_72, %reduce_min3A_73 [0] : vector<1024x1024xi32> to vector<1024xi32>
    %broadcast_in_dim3A_75 = vector.shape_cast %reduce_min3A_74 : vector<1024xi32> to vector<1x1024xi32>
    %reduce_sum3A_76 = vector.shape_cast %broadcast_in_dim3A_65 : vector<1x1024xf32> to vector<1x1x1024xf32>
    %reduce_sum3A_77 = arith.constant dense<0.000000e+00> : vector<1xf32>
    %reduce_sum3A_78 = vector.multi_reduction <add>, %reduce_sum3A_76, %reduce_sum3A_77 [1, 2] : vector<1x1x1024xf32> to vector<1xf32>
    %reduce_sum3A_79 = vector.shape_cast %reduce_sum3A_78 : vector<1xf32> to vector<1x1x1xf32>
    %reduce_sum3A_80 = vector.extract %reduce_sum3A_79[0, 0, 0] : f32 from vector<1x1x1xf32>
    %mul3A_81 = arith.constant 1024 : i32
    %mul3A_82 = arith.muli %arg0, %mul3A_81 : i32
    %add3A_83 = vector.broadcast %mul3A_82 : i32 to vector<1x1024xi32>
    %add3A_84 = arith.addi %broadcast_in_dim3A_75, %add3A_83 : vector<1x1024xi32>
    %swap3A_85 = arith.constant 0 : index
    %swap3A_86 = arith.constant 0 : index
    %swap3A_87 = arith.constant 1024 : index
    %swap3A_88 = vector.load %arg4[%swap3A_85, %swap3A_86, %swap3A_87] : memref<1x1x4096xi32, #tpu.memory_space<vmem>>, vector<1x1x1024xi32>
    %swap3A_89 = vector.shape_cast %swap3A_88 : vector<1x1x1024xi32> to vector<1x1024xi32>
    %swap3A_90 = vector.shape_cast %add3A_84 : vector<1x1024xi32> to vector<1x1x1024xi32>
    tpu.vector_store %arg4[%swap3A_85, %swap3A_86, %swap3A_87], %swap3A_90 {strides = array<i32>} : memref<1x1x4096xi32, #tpu.memory_space<vmem>>, vector<1x1x1024xi32>,
    %add3A_91 = arith.addf %reduce_sum3A_34, %reduce_sum3A_80 : f32
    %get3A_92 = arith.constant 2 : index
    %get3A_93 = arith.constant 0 : index
    %get3A_94 = arith.constant 0 : index
    %get3A_95 = arith.constant 0 : index
    %get3A_96 = vector.load %arg2[%get3A_92, %get3A_93, %get3A_94, %get3A_95] : memref<4x1x64x1024xf32, #tpu.memory_space<vmem>>, vector<1x1x64x1024xf32>
    %get3A_97 = vector.shape_cast %get3A_96 : vector<1x1x64x1024xf32> to vector<64x1024xf32>
    %mul3A_98 = arith.mulf %get3A_97, %get3A_97 : vector<64x1024xf32>
    %reduce_sum3A_99 = arith.constant dense<0.000000e+00> : vector<1024xf32>
    %reduce_sum3A_100 = vector.multi_reduction <add>, %mul3A_98, %reduce_sum3A_99 [0] : vector<64x1024xf32> to vector<1024xf32>
    %broadcast_in_dim3A_101 = vector.shape_cast %reduce_sum3A_100 : vector<1024xf32> to vector<1x1024xf32>
    %dot_general3A_102 = arith.constant dense<0.000000e+00> : vector<1024x1024xf32>
    %dot_general3A_103 = tpu.matmul %get3A_3, %get3A_97, %dot_general3A_102 {dimension_numbers = #tpu.dot_dimension_numbers<[1], [0], [0], [1], [0, 0, 1, 1], [], []>, transpose_lhs_hint = false} : vector<1024x64xf32>, vector<64x1024xf32>, vector<1024x1024xf32> -> vector<1024x1024xf32>
    %mul3A_104 = arith.constant 2.000000e+00 : f32
    %mul3A_105 = vector.broadcast %mul3A_104 : f32 to vector<1024x1024xf32>
    %mul3A_106 = arith.mulf %mul3A_105, %dot_general3A_103 : vector<1024x1024xf32>
    %sub3A_107 = vector.broadcast %broadcast_in_dim3A_101 : vector<1x1024xf32> to vector<1024x1024xf32>
    %sub3A_108 = arith.subf %sub3A_107, %mul3A_106 : vector<1024x1024xf32>
    %add3A_109 = vector.broadcast %broadcast_in_dim3A : vector<1024x1xf32> to vector<1024x1024xf32>
    %add3A_110 = arith.addf %sub3A_108, %add3A_109 : vector<1024x1024xf32>
    %reduce_min3A_111 = arith.constant dense<0x7F800000> : vector<1024xf32>
    %reduce_min3A_112 = vector.multi_reduction <minimumf>, %add3A_110, %reduce_min3A_111 [0] : vector<1024x1024xf32> to vector<1024xf32>
    %broadcast_in_dim3A_113 = vector.shape_cast %reduce_min3A_112 : vector<1024xf32> to vector<1x1024xf32>
    %eq3A_114 = vector.broadcast %broadcast_in_dim3A_113 : vector<1x1024xf32> to vector<1024x1024xf32>
    %eq3A_115 = arith.cmpf oeq, %add3A_110, %eq3A_114 : vector<1024x1024xf32>
    %jit3A_116 = arith.constant 1024 : i32
    %broadcast_in_dim3A_117 = vector.shape_cast %iota3A : vector<1024x1xi32> to vector<1024x1xi32>
    %broadcast_in_dim3A_118 = vector.broadcast %broadcast_in_dim3A_117 : vector<1024x1xi32> to vector<1024x1024xi32>
    %broadcast_in_dim3A_119 = vector.broadcast %jit3A_116 : i32 to vector<1024x1024xi32>
    %select_n3A_120 = arith.select %eq3A_115, %broadcast_in_dim3A_118, %broadcast_in_dim3A_119 : vector<1024x1024xi1>, vector<1024x1024xi32>
    %reduce_min3A_121 = arith.constant dense<2147483647> : vector<1024xi32>
    %reduce_min3A_122 = vector.multi_reduction <minsi>, %select_n3A_120, %reduce_min3A_121 [0] : vector<1024x1024xi32> to vector<1024xi32>
    %broadcast_in_dim3A_123 = vector.shape_cast %reduce_min3A_122 : vector<1024xi32> to vector<1x1024xi32>
    %reduce_sum3A_124 = vector.shape_cast %broadcast_in_dim3A_113 : vector<1x1024xf32> to vector<1x1x1024xf32>
    %reduce_sum3A_125 = arith.constant dense<0.000000e+00> : vector<1xf32>
    %reduce_sum3A_126 = vector.multi_reduction <add>, %reduce_sum3A_124, %reduce_sum3A_125 [1, 2] : vector<1x1x1024xf32> to vector<1xf32>
    %reduce_sum3A_127 = vector.shape_cast %reduce_sum3A_126 : vector<1xf32> to vector<1x1x1xf32>
    %reduce_sum3A_128 = vector.extract %reduce_sum3A_127[0, 0, 0] : f32 from vector<1x1x1xf32>
    %mul3A_129 = arith.constant 1024 : i32
    %mul3A_130 = arith.muli %arg0, %mul3A_129 : i32
    %add3A_131 = vector.broadcast %mul3A_130 : i32 to vector<1x1024xi32>
    %add3A_132 = arith.addi %broadcast_in_dim3A_123, %add3A_131 : vector<1x1024xi32>
    %swap3A_133 = arith.constant 0 : index
    %swap3A_134 = arith.constant 0 : index
    %swap3A_135 = arith.constant 2048 : index
    %swap3A_136 = vector.load %arg4[%swap3A_133, %swap3A_134, %swap3A_135] : memref<1x1x4096xi32, #tpu.memory_space<vmem>>, vector<1x1x1024xi32>
    %swap3A_137 = vector.shape_cast %swap3A_136 : vector<1x1x1024xi32> to vector<1x1024xi32>
    %swap3A_138 = vector.shape_cast %add3A_132 : vector<1x1024xi32> to vector<1x1x1024xi32>
    tpu.vector_store %arg4[%swap3A_133, %swap3A_134, %swap3A_135], %swap3A_138 {strides = array<i32>} : memref<1x1x4096xi32, #tpu.memory_space<vmem>>, vector<1x1x1024xi32>,
    %add3A_139 = arith.addf %add3A_91, %reduce_sum3A_128 : f32
    %get3A_140 = arith.constant 3 : index
    %get3A_141 = arith.constant 0 : index
    %get3A_142 = arith.constant 0 : index
    %get3A_143 = arith.constant 0 : index
    %get3A_144 = vector.load %arg2[%get3A_140, %get3A_141, %get3A_142, %get3A_143] : memref<4x1x64x1024xf32, #tpu.memory_space<vmem>>, vector<1x1x64x1024xf32>
    %get3A_145 = vector.shape_cast %get3A_144 : vector<1x1x64x1024xf32> to vector<64x1024xf32>
    %mul3A_146 = arith.mulf %get3A_145, %get3A_145 : vector<64x1024xf32>
    %reduce_sum3A_147 = arith.constant dense<0.000000e+00> : vector<1024xf32>
    %reduce_sum3A_148 = vector.multi_reduction <add>, %mul3A_146, %reduce_sum3A_147 [0] : vector<64x1024xf32> to vector<1024xf32>
    %broadcast_in_dim3A_149 = vector.shape_cast %reduce_sum3A_148 : vector<1024xf32> to vector<1x1024xf32>
    %dot_general3A_150 = arith.constant dense<0.000000e+00> : vector<1024x1024xf32>
    %dot_general3A_151 = tpu.matmul %get3A_3, %get3A_145, %dot_general3A_150 {dimension_numbers = #tpu.dot_dimension_numbers<[1], [0], [0], [1], [0, 0, 1, 1], [], []>, transpose_lhs_hint = false} : vector<1024x64xf32>, vector<64x1024xf32>, vector<1024x1024xf32> -> vector<1024x1024xf32>
    %mul3A_152 = arith.constant 2.000000e+00 : f32
    %mul3A_153 = vector.broadcast %mul3A_152 : f32 to vector<1024x1024xf32>
    %mul3A_154 = arith.mulf %mul3A_153, %dot_general3A_151 : vector<1024x1024xf32>
    %sub3A_155 = vector.broadcast %broadcast_in_dim3A_149 : vector<1x1024xf32> to vector<1024x1024xf32>
    %sub3A_156 = arith.subf %sub3A_155, %mul3A_154 : vector<1024x1024xf32>
    %add3A_157 = vector.broadcast %broadcast_in_dim3A : vector<1024x1xf32> to vector<1024x1024xf32>
    %add3A_158 = arith.addf %sub3A_156, %add3A_157 : vector<1024x1024xf32>
    %reduce_min3A_159 = arith.constant dense<0x7F800000> : vector<1024xf32>
    %reduce_min3A_160 = vector.multi_reduction <minimumf>, %add3A_158, %reduce_min3A_159 [0] : vector<1024x1024xf32> to vector<1024xf32>
    %broadcast_in_dim3A_161 = vector.shape_cast %reduce_min3A_160 : vector<1024xf32> to vector<1x1024xf32>
    %eq3A_162 = vector.broadcast %broadcast_in_dim3A_161 : vector<1x1024xf32> to vector<1024x1024xf32>
    %eq3A_163 = arith.cmpf oeq, %add3A_158, %eq3A_162 : vector<1024x1024xf32>
    %jit3A_164 = arith.constant 1024 : i32
    %broadcast_in_dim3A_165 = vector.shape_cast %iota3A : vector<1024x1xi32> to vector<1024x1xi32>
    %broadcast_in_dim3A_166 = vector.broadcast %broadcast_in_dim3A_165 : vector<1024x1xi32> to vector<1024x1024xi32>
    %broadcast_in_dim3A_167 = vector.broadcast %jit3A_164 : i32 to vector<1024x1024xi32>
    %select_n3A_168 = arith.select %eq3A_163, %broadcast_in_dim3A_166, %broadcast_in_dim3A_167 : vector<1024x1024xi1>, vector<1024x1024xi32>
    %reduce_min3A_169 = arith.constant dense<2147483647> : vector<1024xi32>
    %reduce_min3A_170 = vector.multi_reduction <minsi>, %select_n3A_168, %reduce_min3A_169 [0] : vector<1024x1024xi32> to vector<1024xi32>
    %broadcast_in_dim3A_171 = vector.shape_cast %reduce_min3A_170 : vector<1024xi32> to vector<1x1024xi32>
    %reduce_sum3A_172 = vector.shape_cast %broadcast_in_dim3A_161 : vector<1x1024xf32> to vector<1x1x1024xf32>
    %reduce_sum3A_173 = arith.constant dense<0.000000e+00> : vector<1xf32>
    %reduce_sum3A_174 = vector.multi_reduction <add>, %reduce_sum3A_172, %reduce_sum3A_173 [1, 2] : vector<1x1x1024xf32> to vector<1xf32>
    %reduce_sum3A_175 = vector.shape_cast %reduce_sum3A_174 : vector<1xf32> to vector<1x1x1xf32>
    %reduce_sum3A_176 = vector.extract %reduce_sum3A_175[0, 0, 0] : f32 from vector<1x1x1xf32>
    %mul3A_177 = arith.constant 1024 : i32
    %mul3A_178 = arith.muli %arg0, %mul3A_177 : i32
    %add3A_179 = vector.broadcast %mul3A_178 : i32 to vector<1x1024xi32>
    %add3A_180 = arith.addi %broadcast_in_dim3A_171, %add3A_179 : vector<1x1024xi32>
    %swap3A_181 = arith.constant 0 : index
    %swap3A_182 = arith.constant 0 : index
    %swap3A_183 = arith.constant 3072 : index
    %swap3A_184 = vector.load %arg4[%swap3A_181, %swap3A_182, %swap3A_183] : memref<1x1x4096xi32, #tpu.memory_space<vmem>>, vector<1x1x1024xi32>
    %swap3A_185 = vector.shape_cast %swap3A_184 : vector<1x1x1024xi32> to vector<1x1024xi32>
    %swap3A_186 = vector.shape_cast %add3A_180 : vector<1x1024xi32> to vector<1x1x1024xi32>
    tpu.vector_store %arg4[%swap3A_181, %swap3A_182, %swap3A_183], %swap3A_186 {strides = array<i32>} : memref<1x1x4096xi32, #tpu.memory_space<vmem>>, vector<1x1x1024xi32>,
    %add3A_187 = arith.addf %add3A_139, %reduce_sum3A_176 : f32
    %eq3A_188 = arith.constant 0 : i32
    %eq3A_189 = arith.cmpi eq, %arg1, %eq3A_188 : i32
    %convert_element_type3A = arith.extui %eq3A_189 : i1 to i32
    %cond3A = arith.constant 0 : i32
    %cond3A_190 = arith.cmpi ne, %convert_element_type3A, %cond3A : i32
    scf.if %cond3A_190 {
      %broadcast_in_dim3A_200 = vector.broadcast %add3A_187 : f32 to vector<1x128xf32>
      %swap3A_201 = arith.constant 0 : index
      %swap3A_202 = arith.constant 0 : index
      %swap3A_203 = arith.constant 0 : index
      %swap3A_204 = vector.load %arg5[%swap3A_201, %swap3A_202, %swap3A_203] : memref<1x1x128xf32, #tpu.memory_space<vmem>>, vector<1x1x128xf32>
      %swap3A_205 = vector.shape_cast %swap3A_204 : vector<1x1x128xf32> to vector<1x128xf32>
      %swap3A_206 = vector.shape_cast %broadcast_in_dim3A_200 : vector<1x128xf32> to vector<1x1x128xf32>
      tpu.vector_store %arg5[%swap3A_201, %swap3A_202, %swap3A_203], %swap3A_206 {strides = array<i32>} : memref<1x1x128xf32, #tpu.memory_space<vmem>>, vector<1x1x128xf32>,
    } else {
    }
    %gt3A = arith.constant 0 : i32
    %gt3A_191 = arith.cmpi sgt, %arg1, %gt3A : i32
    %convert_element_type3A_192 = arith.extui %gt3A_191 : i1 to i32
    %cond3A_193 = arith.constant 0 : i32
    %cond3A_194 = arith.cmpi ne, %convert_element_type3A_192, %cond3A_193 : i32
    scf.if %cond3A_194 {
      %get3A_200 = arith.constant 0 : index
      %get3A_201 = arith.constant 0 : index
      %get3A_202 = arith.constant 0 : index
      %get3A_203 = vector.load %arg5[%get3A_200, %get3A_201, %get3A_202] : memref<1x1x128xf32, #tpu.memory_space<vmem>>, vector<1x1x128xf32>
      %get3A_204 = vector.shape_cast %get3A_203 : vector<1x1x128xf32> to vector<1x128xf32>
      %add3A_205 = vector.broadcast %add3A_187 : f32 to vector<1x128xf32>
      %add3A_206 = arith.addf %get3A_204, %add3A_205 : vector<1x128xf32>
      %swap3A_207 = arith.constant 0 : index
      %swap3A_208 = arith.constant 0 : index
      %swap3A_209 = arith.constant 0 : index
      %swap3A_210 = vector.load %arg5[%swap3A_207, %swap3A_208, %swap3A_209] : memref<1x1x128xf32, #tpu.memory_space<vmem>>, vector<1x1x128xf32>
      %swap3A_211 = vector.shape_cast %swap3A_210 : vector<1x1x128xf32> to vector<1x128xf32>
      %swap3A_212 = vector.shape_cast %add3A_206 : vector<1x128xf32> to vector<1x1x128xf32>
      tpu.vector_store %arg5[%swap3A_207, %swap3A_208, %swap3A_209], %swap3A_212 {strides = array<i32>} : memref<1x1x128xf32, #tpu.memory_space<vmem>>, vector<1x1x128xf32>,
    } else {
    }
    %eq3A_195 = arith.constant 1 : i32
    %eq3A_196 = arith.cmpi eq, %arg1, %eq3A_195 : i32
    %convert_element_type3A_197 = arith.extui %eq3A_196 : i1 to i32
    %cond3A_198 = arith.constant 0 : i32
    %cond3A_199 = arith.cmpi ne, %convert_element_type3A_197, %cond3A_198 : i32
    scf.if %cond3A_199 {
      %get3A_200 = arith.constant 0 : index
      %get3A_201 = arith.constant 0 : index
      %get3A_202 = arith.constant 0 : index
      %get3A_203 = vector.load %arg5[%get3A_200, %get3A_201, %get3A_202] : memref<1x1x128xf32, #tpu.memory_space<vmem>>, vector<1x1x128xf32>
      %get3A_204 = vector.shape_cast %get3A_203 : vector<1x1x128xf32> to vector<1x128xf32>
      %mul3A_205 = arith.constant 2.38418579E-6 : f32
      %mul3A_206 = vector.broadcast %mul3A_205 : f32 to vector<1x128xf32>
      %mul3A_207 = arith.mulf %get3A_204, %mul3A_206 : vector<1x128xf32>
      %swap3A_208 = arith.constant 0 : index
      %swap3A_209 = arith.constant 0 : index
      %swap3A_210 = arith.constant 0 : index
      %swap3A_211 = vector.load %arg5[%swap3A_208, %swap3A_209, %swap3A_210] : memref<1x1x128xf32, #tpu.memory_space<vmem>>, vector<1x1x128xf32>
      %swap3A_212 = vector.shape_cast %swap3A_211 : vector<1x1x128xf32> to vector<1x128xf32>
      %swap3A_213 = vector.shape_cast %mul3A_207 : vector<1x128xf32> to vector<1x1x128xf32>
      tpu.vector_store %arg5[%swap3A_208, %swap3A_209, %swap3A_210], %swap3A_213 {strides = array<i32>} : memref<1x1x128xf32, #tpu.memory_space<vmem>>, vector<1x1x128xf32>,
    } else {
    }
    return
  }
  func.func @transform_0(%arg0: i32, %arg1: i32) -> (i32, i32, i32, i32) {
    %c0_i32 = arith.constant 0 : i32
    %c0_i32_0 = arith.constant 0 : i32
    %c0_i32_1 = arith.constant 0 : i32
    return %arg1, %arg0, %c0_i32, %c0_i32_0 : i32, i32, i32, i32
  }
  func.func @transform_1(%arg0: i32, %arg1: i32) -> (i32, i32, i32) {
    %c0_i32 = arith.constant 0 : i32
    %c0_i32_0 = arith.constant 0 : i32
    %c0_i32_1 = arith.constant 0 : i32
    return %arg0, %c0_i32, %c0_i32_0 : i32, i32, i32
  }
  func.func @transform_2(%arg0: i32, %arg1: i32) -> (i32, i32, i32) {
    %c0_i32 = arith.constant 0 : i32
    %c0_i32_0 = arith.constant 0 : i32
    return %arg0, %c0_i32, %arg1 : i32, i32, i32
  }
  func.func @transform_3(%arg0: i32, %arg1: i32) -> (i32, i32, i32) {
    %c0_i32 = arith.constant 0 : i32
    %c0_i32_0 = arith.constant 0 : i32
    %c0_i32_1 = arith.constant 0 : i32
    return %arg0, %c0_i32, %c0_i32_0 : i32, i32, i32
  }
}

module attributes {stable_mosaic.version = 14 : i64} {
  func.func @_perp_kernel(%arg0: i32, %arg1: memref<2x4x1024xf32, #tpu.memory_space<vmem>>, %arg2: memref<4x128xf32, #tpu.memory_space<vmem>>) attributes {dimension_semantics = [#tpu.dimension_semantics<arbitrary>], iteration_bounds = array<i64: 1>, scalar_prefetch = 0 : i64, scratch_operands = 0 : i64, tpu.core_type = #tpu.core_type<tc>, window_params = [{pipeline_mode = #tpu.pipeline_mode<synchronous>, transform_indices = @transform_0, window_bounds = array<i64: 2, 4, 1024>}, {pipeline_mode = #tpu.pipeline_mode<synchronous>, transform_indices = @transform_1, window_bounds = array<i64: 4, 128>}]} {
    %get3A = arith.constant 0 : index
    %get3A_0 = arith.constant 0 : index
    %get3A_1 = arith.constant 0 : index
    %get3A_2 = vector.load %arg1[%get3A, %get3A_0, %get3A_1] : memref<2x4x1024xf32, #tpu.memory_space<vmem>>, vector<1x4x1024xf32>
    %get3A_3 = vector.shape_cast %get3A_2 : vector<1x4x1024xf32> to vector<4x1024xf32>
    %get3A_4 = arith.constant 1 : index
    %get3A_5 = arith.constant 0 : index
    %get3A_6 = arith.constant 0 : index
    %get3A_7 = vector.load %arg1[%get3A_4, %get3A_5, %get3A_6] : memref<2x4x1024xf32, #tpu.memory_space<vmem>>, vector<1x4x1024xf32>
    %get3A_8 = vector.shape_cast %get3A_7 : vector<1x4x1024xf32> to vector<4x1024xf32>
    %add3A = arith.addf %get3A_3, %get3A_8 : vector<4x1024xf32>
    %mul3A = arith.constant 1.22070313E-4 : f32
    %mul3A_9 = vector.broadcast %mul3A : f32 to vector<4x1024xf32>
    %mul3A_10 = arith.mulf %add3A, %mul3A_9 : vector<4x1024xf32>
    %add3A_11 = arith.constant 1.000000e-10 : f32
    %add3A_12 = vector.broadcast %add3A_11 : f32 to vector<4x1024xf32>
    %add3A_13 = arith.addf %mul3A_10, %add3A_12 : vector<4x1024xf32>
    %log3A = math.log %add3A_13 : vector<4x1024xf32>
    %mul3A_14 = arith.mulf %mul3A_10, %log3A : vector<4x1024xf32>
    %reduce_sum3A = arith.constant dense<0.000000e+00> : vector<4xf32>
    %reduce_sum3A_15 = vector.multi_reduction <add>, %mul3A_14, %reduce_sum3A [1] : vector<4x1024xf32> to vector<4xf32>
    %broadcast_in_dim3A = vector.shape_cast %reduce_sum3A_15 : vector<4xf32> to vector<4x1xf32>
    %neg3A = arith.constant 0.000000e+00 : f32
    %neg3A_16 = vector.broadcast %neg3A : f32 to vector<4x1xf32>
    %neg3A_17 = arith.subf %neg3A_16, %broadcast_in_dim3A : vector<4x1xf32>
    %exp3A = math.exp %neg3A_17 : vector<4x1xf32>
    %broadcast_in_dim3A_18 = arith.constant 1.000000e+00 : f32
    %broadcast_in_dim3A_19 = vector.broadcast %broadcast_in_dim3A_18 : f32 to vector<4x128xf32>
    %mul3A_20 = vector.broadcast %exp3A : vector<4x1xf32> to vector<4x128xf32>
    %mul3A_21 = arith.mulf %mul3A_20, %broadcast_in_dim3A_19 : vector<4x128xf32>
    %swap3A = arith.constant 0 : index
    %swap3A_22 = arith.constant 0 : index
    %swap3A_23 = vector.load %arg2[%swap3A, %swap3A_22] : memref<4x128xf32, #tpu.memory_space<vmem>>, vector<4x128xf32>
    tpu.vector_store %arg2[%swap3A, %swap3A_22], %mul3A_21 {strides = array<i32>} : memref<4x128xf32, #tpu.memory_space<vmem>>, vector<4x128xf32>,
    return
  }
  func.func @transform_0(%arg0: i32) -> (i32, i32, i32) {
    %c0_i32 = arith.constant 0 : i32
    %c0_i32_0 = arith.constant 0 : i32
    %c0_i32_1 = arith.constant 0 : i32
    %c0_i32_2 = arith.constant 0 : i32
    return %c0_i32, %c0_i32_0, %c0_i32_1 : i32, i32, i32
  }
  func.func @transform_1(%arg0: i32) -> (i32, i32) {
    %c0_i32 = arith.constant 0 : i32
    %c0_i32_0 = arith.constant 0 : i32
    %c0_i32_1 = arith.constant 0 : i32
    return %c0_i32, %c0_i32_0 : i32, i32
  }
}

</mosaic_0001>

<sc_bundles>
// kernel: kernel.5.cloned.1.call-start
scs
__scs_entry_jumppad:
0x0: {  	(pc) =	sbr.rel $0x88, $3  }
0x1: {  	(tag) =	ssettag $0x0;
	lr =	simm.s32 $0x1  }
0x2: {  	[smem:$0x3F9F] =	sst lr;
	_ =	strace $0xD0000000  }
0x3: {  	_ = 	snop  }
0x4: {  	_ = 	snop  }
0x5: {  	_ = 	snop  }
0x6: {  	_ = 	snop  }
0x7: {  	_ = 	snop  }
__scs_overlays_trampoline_lowered:
0x8: {  	[smem:$0x3FAE] =	sst s0  }
0x9: {  	[smem:$0x3FAF] =	sst s1  }
0xa: {  	[smem:$0x3FB0] =	sst s2  }
0xb: {  	[smem:$0x3FB1] =	sst s3  }
0xc: {  	[smem:$0x3FB2] =	sst s4  }
0xd: {  	[smem:$0x3FB3] =	sst s5  }
0xe: {  	[smem:$0x3FB4] =	sst s6  }
0xf: {  	[smem:$0x3FB5] =	sst s7  }
0x10: {  	[smem:$0x3FB6] =	sst s8  }
0x11: {  	[smem:$0x3FB7] =	sst s9;
	s0 =	simm.s32 @!p0 $0x0  }
0x12: {  	s1 =	sld [smem:$0x3F9D];
	s0 =	simm.s32 @p0 $0x1  }
0x13: {  	[smem:$0x3FB8] =	sst s0;
	s0 =	simm.s32 @!p1 $0x0  }
0x14: {  	s2 =	sld [smem:$0x3F9C];
	s0 =	simm.s32 @p1 $0x1  }
0x15: {  	[smem:$0x3FB9] =	sst s0;
	s0 =	simm.s32 @!p2 $0x0  }
0x16: {  	s3 =	sld [smem:$0x3FDB];
	s0 =	simm.s32 @p2 $0x1  }
0x17: {  	s4 =	simm.s32 $0x1BF5;
	[smem:$0x3FBB] =	sst s0  }
0x18: {  	s0 =	sld [smem:$0x3F9E];
	_ =	swait.ge [sflag:s4], $0x0  }
0x19: {  	s7 =	sld [smem:$0x3F9F]  }
0x1a: {  	s8 =	sadd.s32 $0xFFFFE003, lr  }
0x1b: {  	s9 =	sadd.s32 $0xFFFFFEF7, lr;
	s5 =	simm.s32 $0xFFFFFFFF;
	p2 =	slt.u32 s8, $0xFFFFF086  }
0x1c: {  	p1 =	slt.u32 s9, $0xF7A;
	s5 =	simm.s32 @!p2 $0x0  }
0x1d: {  	s5 =	simm.s32 @p1 $0x1;
	p0 =	seq.s32 s7, s2  }
0x1e: {  	s7 =	smul.u32 @!p0 $0xF7A, s2;
	p2 =	seq.s32 @!p0 s5, $0x0  }
0x1f: {  	s9 =	smul.u32 $0xF7A, s1;
	s8 =	simm.s32 @!p0 $0x1BF5;
	p2 =	por !p2, p0  }
0x20: {  	[sflag:s8] =	ssyncset.s32 @!p0 $0xFFFFF086;
	s6 =	sadd.s32 @!p0 s3, s7;
	s7 =	simm.s32 @!p0 $0x108  }
0x21: {  	s3 =	sadd.s32 s3, s9;
	s6 =	sadd.s32 @!p0 $0x88, s6;
	s7 =	simm.s32 @p2 $0x1082  }
0x22: {  	[simem:s7], [sflag:s8] =	dma.local @!p0 [hbm:s6], $0xF7A  }
0x23: {  	s9 =	sor.u32 $0xD0000000, s2;
	s6 =	simm.s32 $0x108;
	_ =	swait.ge @!p0 [sflag:s8], $0x0  }
0x24: {  	s3 =	sadd.s32 $0x88, s3;
	s6 =	simm.s32 @!p1 $0x1082;
	[sflag:s4] =	ssyncset.s32 $0xFFFFF086  }
0x25: {  	[simem:s6], [sflag:s4] =	dma.local [hbm:s3], $0xF7A  }
0x26: {  	[smem:$0x3F9F] =	sst s1;
	(tag) =	ssettag s2;
	_ =	strace s9  }
0x27: {  	s1 =	sld [smem:$0x3FAF]  }
0x28: {  	s2 =	sld [smem:$0x3FB0]  }
0x29: {  	s4 =	sld [smem:$0x3FB2]  }
0x2a: {  	p0 =	seq.s32 s5, $0x0;
	s5 =	sld [smem:$0x3FB3]  }
0x2b: {  	s6 =	sld [smem:$0x3FB4]  }
0x2c: {  	s7 =	sld [smem:$0x3FB5]  }
0x2d: {  	s3 =	simm.s32 $0x108;
	s8 =	sld [smem:$0x3FB6]  }
0x2e: {  	s3 =	simm.s32 @!p0 $0x1082;
	s9 =	sld [smem:$0x3FB7]  }
0x2f: {  	lr =	sadd.s32 s0, s3;
	s0 =	sld [smem:$0x3FAE]  }
0x30: {  	s3 =	sld [smem:$0x3FB1]  }
0x31: {  	[smem:$0x3FBA] =	sst s10  }
0x32: {  	s10 =	sld [smem:$0x3FB8];
	_ =	sdelay $0x3  }
0x33: {  	p0 =	seq.s32 s10, $0x1;
	s10 =	sld [smem:$0x3FBA];
	_ =	sdelay $0x3  }
0x34: {  	[smem:$0x3FBA] =	sst s10  }
0x35: {  	s10 =	sld [smem:$0x3FB9];
	_ =	sdelay $0x3  }
0x36: {  	p1 =	seq.s32 s10, $0x1;
	s10 =	sld [smem:$0x3FBA];
	_ =	sdelay $0x3  }
0x37: {  	[smem:$0x3FBA] =	sst s10  }
0x38: {  	s10 =	sld [smem:$0x3FBB]  }
0x39: {  	_ = 	snop;
	(pc) =	sbr.ind lr, $3  }
0x3a: {  	_ = 	snop  }
0x3b: {  	_ = 	snop  }
0x3c: {  	p2 =	seq.s32 s10, $0x1;
	s10 =	sld [smem:$0x3FBA]  }
0x3d: {  	_ =	shalt  }
0x3e: {  	_ =	shalt  }
0x3f: {  	_ =	shalt  }
0x40: {  	_ =	shalt  }
0x41: {  	_ =	shalt  }
0x42: {  	_ =	shalt  }
0x43: {  	_ =	shalt  }
0x44: {  	_ =	shalt  }
0x45: {  	_ =	shalt  }
0x46: {  	_ =	shalt  }
0x47: {  	_ =	shalt  }
0x48: {  	_ =	shalt  }
0x49: {  	_ =	shalt  }
0x4a: {  	_ =	shalt  }
0x4b: {  	_ =	shalt  }
0x4c: {  	_ =	shalt  }
0x4d: {  	_ =	shalt  }
0x4e: {  	_ =	shalt  }
0x4f: {  	_ =	shalt  }
0x50: {  	_ =	shalt  }
0x51: {  	_ =	shalt  }
0x52: {  	_ =	shalt  }
0x53: {  	_ =	shalt  }
0x54: {  	_ =	shalt  }
0x55: {  	_ =	shalt  }
0x56: {  	_ =	shalt  }
0x57: {  	_ =	shalt  }
0x58: {  	_ =	shalt  }
0x59: {  	_ =	shalt  }
0x5a: {  	_ =	shalt  }
0x5b: {  	_ =	shalt  }
0x5c: {  	_ =	shalt  }
0x5d: {  	_ =	shalt  }
0x5e: {  	_ =	shalt  }
0x5f: {  	_ =	shalt  }
0x60: {  	_ =	shalt  }
0x61: {  	_ =	shalt  }
0x62: {  	_ =	shalt  }
0x63: {  	_ =	shalt  }
0x64: {  	_ =	shalt  }
0x65: {  	_ =	shalt  }
0x66: {  	_ =	shalt  }
0x67: {  	_ =	shalt  }
0x68: {  	_ =	shalt  }
0x69: {  	_ =	shalt  }
0x6a: {  	_ =	shalt  }
0x6b: {  	_ =	shalt  }
0x6c: {  	_ =	shalt  }
0x6d: {  	_ =	shalt  }
0x6e: {  	_ =	shalt  }
0x6f: {  	_ =	shalt  }
0x70: {  	_ =	shalt  }
0x71: {  	_ =	shalt  }
0x72: {  	_ =	shalt  }
0x73: {  	_ =	shalt  }
0x74: {  	_ =	shalt  }
0x75: {  	_ =	shalt  }
0x76: {  	_ =	shalt  }
0x77: {  	_ =	shalt  }
0x78: {  	_ =	shalt  }
0x79: {  	_ =	shalt  }
0x7a: {  	_ =	shalt  }
0x7b: {  	_ =	shalt  }
0x7c: {  	_ =	shalt  }
0x7d: {  	_ =	shalt  }
0x7e: {  	_ =	shalt  }
0x7f: {  	_ =	shalt  }
0x80: {  	_ =	shalt  }
0x81: {  	_ =	shalt  }
0x82: {  	_ =	shalt  }
0x83: {  	_ =	shalt  }
0x84: {  	_ =	shalt  }
0x85: {  	_ =	shalt  }
0x86: {  	_ =	shalt  }
0x87: {  	_ =	shalt  }
.Lfunc_end0:
.L_simem_size_0:
called_computation_lowered:
.L_overlay_start_0:
0x88: {  	s2 =	sld [smem:$0x3FD9]  }
0x89: {  	s3 =	sld [smem:$0x3FFE];
	_ =	sdelay $0x1  }
0x8a: {  	s1 =	srdreg.scid  }
0x8b: {  	s0 =	sand.u32 $0x1, s1  }
0x8c: {  	s14 =	sshll.u32 s0, $0xA;
	s2 =	sadd.s32 s3, s2  }
0x8d: {  	s2 =	sadd.s32 s2, s14  }
0x8e: {  	[smem:$0x3FC6] =	sst s2  }
0x8f: {  	_ = 	snop  }
0x90: {  	s2 =	sld [smem:$0x3FD0];
	_ =	sdelay $0x2  }
0x91: {  	s15 =	simm.s32 $0xA;
	s4 =	simm.s32 $0x10  }
0x92: {  	[smem:s4], [sflag:s15] =	dma.local [hbm:s2], $0x1  }
0x93: {  	_ =	swait.eq [sflag:s15], $0x1  }
0x94: {  	[sflag:s15] =	ssyncset.done $0x0  }
0x95: {  	[sflag:s15] =	ssyncadd.s32 $0xFFFFFFFF  }
0x96: {  	s16 =	sld [smem:$0x10];
	(tm) =	ssettm $0x1  }
0x97: {  	s17 =	sld [smem:$0x3FFB];
	_ =	sdelay $0x3  }
0x98: {  	_ =	strace s17  }
0x99: {  	s3 =	sld [smem:$0x3FFC];
	_ =	sdelay $0x3  }
0x9a: {  	_ =	strace s3  }
0x9b: {  	s3 =	sld [smem:$0x3FFD];
	_ =	sdelay $0x3  }
0x9c: {  	_ =	strace s3  }
0x9d: {  	_ =	strace $0x8FFFFFFF  }
0x9e: {  	s18 =	sld [smem:$0x3FDB];
	_ =	sdelay $0x1  }
0x9f: {  	s19 =	simm.s32 $_scs_section_size  }
0xa0: {  	s5 =	simm.s32 $_size__tile_overlayer_lowered;
	s6 =	simm.s32 $_tile_overlayer_lowered  }
0xa1: {  	s22 =	simm.s32 $0x1BFF;
	s21 =	sshll.u32 s6, $0x1;
	s3 =	sadd.s32 s19, s18  }
0xa2: {  	s7 =	simm.s32 $0x0;
	s20 =	sshll.u32 s5, $0x1;
	s5 =	sadd.s32 s21, s3  }
0xa3: {  	[timem:s7], [sflag:s22] =	dma.local [hbm:s5], s20  }
0xa4: {  	_ =	swait.ge [sflag:s22], s20  }
0xa5: {  	s4 =	ssub.s32 $0x0, s20;
	[sflag:s22] =	ssyncset.done $0x0  }
0xa6: {  	[sflag:s22] =	ssyncadd.s32 s4;
	_ =	sdelay $0x1  }
0xa7: {  	s23 =	simm.s32 $0x1B8B  }
0xa8: {  	_ =	swait.ge [sflag:s23], $0x1  }
0xa9: {  	[sflag:s23] =	ssyncset.done $0x0  }
0xaa: {  	s25 =	simm.s32 $0x1B8E;
	s24 =	sld [smem:$0x3FFE];
	[sflag:s23] =	ssyncadd.s32 $0xFFFFFFFF  }
0xab: {  	s26 =	simm.s32 $execute0_lowered;
	[smem:$0x3FD2] =	sst s25  }
0xac: {  	s5 =	sshll.u32 s26, $0x1;
	_ =	strace $0x80000046;
	[dreg:$0x1] =	wrdreg $0xFFFFFFFF  }
0xad: {  	s28 =	simm.s32 $_size_execute0_lowered;
	s3 =	sadd.s32 s3, s5;
	[dreg:$0x0] =	wrdreg $0x0  }
0xae: {  	s5 =	sshll.u32 s28, $0x1;
	[dreg:$0x2] =	wrdreg s3  }
0xaf: {  	[dreg:$0x3] =	wrdreg s5  }
0xb0: {  	[dreg:$0x4] =	wrdreg $0xC0  }
0xb1: {  	_ =	task [dreg:s7], $0x5FFFF  }
0xb2: {  	[dreg:$0x1] =	wrdreg $0xFFFFFFFF  }
0xb3: {  	[dreg:$0x0] =	wrdreg $0x60  }
0xb4: {  	[dreg:$0x2] =	wrdreg s24  }
0xb5: {  	[dreg:$0x3] =	wrdreg s16  }
0xb6: {  	[dreg:$0x4] =	wrdreg $0x118000  }
0xb7: {  	[dreg:$0x5] =	wrdreg $0x9  }
0xb8: {  	_ =	task.clear_ibuf [dreg:s7], $0x6FFFF;
	_ =	strace $0x90000046  }
0xb9: {  	s29 =	simm.s32 $0x9;
	_ =	strace $0x80000048  }
0xba: {  	_ =	swait.ge [sflag:s29], $0x1  }
0xbb: {  	[sflag:s29] =	ssyncadd.s32 $0xFFFFFFFF  }
0xbc: {  	_ =	strace $0x90000048  }
0xbd: {  	_ =	sfence  }
0xbe: {  	s30 =	sld [smem:$0x0];
	_ =	sdelay $0x2  }
0xbf: {  	s31 =	sshll.u32 s1, $0xD;
	s1 =	sshrl.u32 s1, $0x2  }
0xc0: {  	s3 =	sand.u32 $0x4000, s31;
	s1 =	sadd.s32 s1, s30  }
0xc1: {  	s0 =	sor.u32 s3, s0;
	s1 =	sshll.u32 s1, $0x11  }
0xc2: {  	s0 =	sor.u32 s1, s0  }
0xc3: {  	s0 =	sadd.s32 $0x8F2B, s0  }
0xc4: {  	[sflag:s0] =	ssyncadd.remote.s32 $0x1  }
0xc5: {  	_ =	sfence.sel $0xFFFF  }
0xc6: {  	[dreg:$0x0] =	wrdreg $0xFFFFFFFF;
	(pc) =	sbr.abs _section_cstart, $3  }
0xc7: {  	[dreg:$0x1] =	wrdreg $0xFFFFFFFF  }
0xc8: {  	_ =	task.clear_ibuf [dreg:s7], $0x2FFFF;
	_ =	strace $0x9FFFFFFF  }
0xc9: {  	(tm) =	ssettm $0x7FFFFFFF  }
tec
execute0_lowered:
.L_overlay_start_1:
0x0: {  	(tag) =	ssettag $0x1  }
0x1: {  	s4 =	rddreg [dreg:$0x0]  }
0x2: {  	s5 =	rddreg [dreg:$0x1]  }
0x3: {  	s1 =	rddreg [dreg:$0x2]  }
0x4: {  	s0 =	rddreg [dreg:$0x3]  }
0x5: {  	s2 =	simm.s32 $0x0;
	s3 =	srdreg.scid;
	s9 =	stileid.u32  }
0x6: {  	s12 =	simm.s32 $0x10400;
	s14 =	simm.s32 $0x0;
	[smem:$0x7FF] =	sst s2  }
0x7: {  	s6 =	sand.u32 $0x1, s3;
	s3 =	sadd.s32 $0x1000, s4;
	s10 =	sshll.u32 s9, $0xB  }
0x8: {  	p0 =	sne.s32 s9, $0x0;
	s9 =	simm.s32 $0x10800;
	_ =	strace $0x80000047  }
0x9: {  	s7 =	sshll.u32 s6, $0x9;
	s8 =	ssub.s32 $0x2, s6;
	s6 =	sshll.u32 s6, $0xA  }
.Ltmp0:
0xa: {  	s13 =	sshrl.u32 @!p0 s1, $0x3;
	s11 =	sshrl.u32 s8, $0x1;
	(pc) =	sbr.rel .LBB2_1-.Ltmp0, $4  }
0xb: {  	s7 =	sadd.s32 s7, s4;
	s6 =	sor.u32 s6, s10;
	s8 =	ssub.s32 s8, s11  }
0xc: {  	s10 =	sshrl.u32 s6, $0x3;
	s6 =	sshll.u32 s6, $0x3;
	s11 =	simm.s32 $0x1  }
0xd: {  	s4 =	sadd.s32 s4, s10;
	s5 =	sadd.s32 s5, s6;
	s6 =	sadd.s32 $0x9000, s7  }
0xe: {  	v0 =	vimm.f32 $1.000000000e+00;
	v1 =	vimm.f32 $0.0e+00;
	s7 =	smax.u32 s8, $0x1;
	s8 =	simm.s32 $0x2;
	s10 =	simm.s32 $0x400  }
.LBB2_6:
0xf: {  	[tilespmem:s16+$0x10800] =	vst v1  }
0x10: {  	[spmem:s1] =	stream.linear.scatter [tilespmem:s9], [sflag:$0x2], $0x1000, $0x38;
	[tilespmem:$0x11900] =	vst v63  }
0x11: {  	_ =	swait.ge [sflag:s8], $0x1000  }
0x12: {  	[sflag:s8] =	ssyncset.done $0x0  }
0x13: {  	[sflag:s8] =	ssyncadd.s32 $0xFFFFF000  }
.LBB2_7:
0x14: {  	[bflag:$0x0] =	sbarrier.arrive $0xFFFF  }
0x15: {  	[tilespmem:s10], [sflag:$0x1] =	stream.indirect.gather [hbm4b:s3+s10], $0x40, s2, s10, $0xb8;
	[tilespmem:$0x11900] =	vst v63  }
0x16: {  	_ =	swait.ge [sflag:s11], $0x10000  }
0x17: {  	[sflag:s11] =	ssyncset.done $0x0  }
0x18: {  	[sflag:s11] =	ssyncadd.s32 $0xFFFF0000  }
0x19: {  	[hbm4b:s5+s2] =	stream.linear.scatter [tilespmem:s10], [sflag:$0x2], $0x10000, $0x38;
	[tilespmem:$0x11900] =	vst v63  }
0x1a: {  	_ =	swait.ge [sflag:s8], $0x10000  }
0x1b: {  	[sflag:s8] =	ssyncset.done $0x0  }
0x1c: {  	[sflag:s8] =	ssyncadd.s32 $0xFFFF0000  }
0x1d: {  	[spmem:s1] =	stream.indirect.scatter.add.f32 [tilespmem:s12], [sflag:$0x2], $0x1, s2, s10, $0xb8;
	[tilespmem:$0x11900] =	vst v63  }
0x1e: {  	_ =	swait.ge [sflag:s8], $0x400  }
0x1f: {  	[sflag:s8] =	ssyncset.done $0x0  }
0x20: {  	s14 =	sadd.s32 $0x1, s14;
	[sflag:s8] =	ssyncadd.s32 $0xFFFFFC00  }
0x21: {  	s15 =	simm.s32 @!p0 $0x1C02;
	p1 =	sne.s32 s14, s7;
	[bflag:$0x0] =	sbarrier.arrive $0xFFFF  }
0x22: {  	[hbm:s6], [sflag:s15] =	dma.local @!p0 [spmem:s13], $0x200  }
.Ltmp1:
0x23: {  	_ = 	snop;
	(pc) =	sbr.rel @!p1 .LBB2_8-.Ltmp1, $4  }
0x24: {  	s15 =	simm.s32 @!p0 $0x2  }
0x25: {  	_ =	swait.ge @!p0 [sflag:s15], $0x200  }
0x26: {  	[sflag:s15] =	ssyncset.done @!p0 $0x0  }
0x27: {  	[sflag:s15] =	ssyncadd.s32 @!p0 $0xFFFFFE00  }
.LBB2_1:
0x28: {  	[tilespmem:s2], [sflag:$0x2] =	stream.linear.gather [hbm4b:s4+s2], $0x400, $0x38;
	[tilespmem:$0x11900] =	vst v63  }
0x29: {  	_ =	swait.ge [sflag:s8], $0x400  }
0x2a: {  	[sflag:s8] =	ssyncset.done $0x0  }
0x2b: {  	s15 =	simm.s32 $0x40;
	s16 =	simm.s32 $0x0;
	[sflag:s8] =	ssyncadd.s32 $0xFFFFFC00  }
.LBB2_2:
0x2c: {  	p1 =	sne.s32 s15, $0xFC0;
	[tilespmem:s16+$0x10400] =	vst v0;
	s16 =	smov.u32 s15;
	s15 =	sadd.s32 $0x40, s15  }
.Ltmp2:
0x2d: {  	(pc) =	sbr.rel @p1 .LBB2_2-.Ltmp2, $2  }
0x2e: {  	_ =	sdelay $0x2  }
0x2f: {  	s16 =	sshra.s32 s16, $0x2  }
.Ltmp3:
0x30: {  	(pc) =	sbr.rel @p0 .LBB2_7-.Ltmp3, $2  }
0x31: {  	_ =	sdelay $0x2  }
0x32: {  	[tilespmem:s16+$0x10400] =	vst v0  }
0x33: {  	s15 =	simm.s32 $0x40;
	s16 =	simm.s32 $0x0  }
.LBB2_5:
0x34: {  	p1 =	sne.s32 s15, $0x3FC0;
	[tilespmem:s16+$0x10800] =	vst v1;
	s16 =	smov.u32 s15;
	s15 =	sadd.s32 $0x40, s15  }
.Ltmp4:
0x35: {  	(pc) =	sbr.rel @p1 .LBB2_5-.Ltmp4, $2  }
0x36: {  	_ =	sdelay $0x2  }
0x37: {  	s16 =	sshra.s32 s16, $0x2  }
.Ltmp5:
0x38: {  	_ = 	snop;
	(pc) =	sbr.rel .LBB2_6-.Ltmp5, $1  }
0x39: {  	_ =	sdelay $0x3  }
.LBB2_8:
0x3a: {  	_ =	sfence.sel $0x180000  }
0x3b: {  	[bflag:$0x0] =	sbarrier.arrive $0xFFFF  }
0x3c: {  	_ =	strace $0x90000047  }
0x3d: {  	s0 =	sadd.s32 @!p0 $0x100000, s0;
	[bflag:$0x2] =	sbarrier.arrive $0xFFFF  }
0x3e: {  	[sflag:s0] =	ssyncadd.tile.s32 @!p0 $0x1;
	_ =	shalt  }
.Lfunc_end2:
_tile_overlayer_lowered:
.L_overlay_start_2:
0x3f: {  	(tag) =	ssettag $0x2  }
0x40: {  	s0 =	rddreg [dreg:$0x0];
	s2 =	stileid.u32  }
0x41: {  	s1 =	rddreg [dreg:$0x1];
	p0 =	sne.s32 s2, $0x0  }
0x42: {  	s3 =	rddreg [dreg:$0x2];
	[bflag:$0x3] =	sbarrier.arrive $0xFFFF;
	s2 =	simm.s32 @!p0 $0x1C02  }
0x43: {  	[timem:s3], [sflag:s2] =	dma.local @!p0 [hbm:s0], s1  }
0x44: {  	s0 =	simm.s32 @!p0 $0x2  }
0x45: {  	_ =	swait.ge @!p0 [sflag:s0], s1  }
0x46: {  	s1 =	ssub.s32 @!p0 $0x0, s1;
	[sflag:s0] =	ssyncset.done @!p0 $0x0  }
0x47: {  	[sflag:s0] =	ssyncadd.s32 @!p0 s1  }
0x48: {  	[bflag:$0x3] =	sbarrier.arrive $0xFFFF  }
0x49: {  	_ =	shalt  }

</sc_bundles>
